<compile_context>
chip_gen: v7x
topology: tpu7x:2x2x1
jax: 0.10.2.dev20260603
libtpu: 0.0.44.dev20260713+nightly
codegen_flags: <defaults>
</compile_context>

<pallas_src>
import functools

import jax
import jax.numpy as jnp
from jax import lax
from jax.experimental import pallas as pl
from jax.experimental.pallas import tpu as pltpu
from jax.experimental.pallas import tpu_sc as plsc

_K = 128
_L = 16
_JL = 8


def _lane_shuffle(x, idx_lanes):
    dnums = lax.GatherDimensionNumbers(
        offset_dims=(), collapsed_slice_dims=(0,), start_index_map=(0,))
    return lax.gather(x, idx_lanes[:, None], dnums, (1,),
                      mode=lax.GatherScatterMode.PROMISE_IN_BOUNDS)


def _glove_body(i_hbm, j_hbm, table_hbm, bvec_hbm, out_hbm,
                stage_v, idx_v, rows_v, bv_v, out_v, sem_i, sem_j):
    @pl.when(jnp.logical_and(lax.axis_index("c") == 0,
                             lax.axis_index("s") == 0))
    def _():
        lane = lax.iota(jnp.int32, _L)
        cp_i = pltpu.async_copy(i_hbm, stage_v.at[pl.ds(0, 1)], sem_i)
        cp_j = pltpu.async_copy(j_hbm, stage_v.at[pl.ds(_JL, 1)], sem_j)
        cp_i.wait()
        cp_j.wait()
        idx_v[...] = _lane_shuffle(stage_v[...],
                                   jnp.where(lane == 0, 0, _JL))
        cp_w = pltpu.async_copy(table_hbm.at[idx_v.at[pl.ds(0, 2)]],
                                rows_v, sem_i)
        cp_b = pltpu.async_copy(bvec_hbm.at[idx_v], bv_v, sem_j)
        cp_w.wait()
        acc = (rows_v[0, pl.ds(0, _L)] * rows_v[1, pl.ds(0, _L)])
        for c in range(1, _K // _L):
            acc = acc + (rows_v[0, pl.ds(c * _L, _L)]
                         * rows_v[1, pl.ds(c * _L, _L)])
        cp_b.wait()
        acc = acc + jnp.where(lane < 2, bv_v[...], 0.0)
        for sh in (8, 4, 2, 1):
            acc = acc + _lane_shuffle(acc, (lane + sh) & (_L - 1))
        out_v[...] = acc
        pltpu.sync_copy(out_v, out_hbm)


_glove_sc = functools.partial(
    pl.kernel,
    out_type=jax.ShapeDtypeStruct((_L,), jnp.float32),
    mesh=plsc.VectorSubcoreMesh(core_axis_name="c", subcore_axis_name="s",
                                num_cores=1, num_subcores=1),
    scratch_types=[
        pltpu.VMEM((_L,), jnp.int32),
        pltpu.VMEM((_L,), jnp.int32),
        pltpu.VMEM((2, _K), jnp.float32),
        pltpu.VMEM((_L,), jnp.float32),
        pltpu.VMEM((_L,), jnp.float32),
        pltpu.SemaphoreType.DMA,
        pltpu.SemaphoreType.DMA,
    ],
)(_glove_body)


def kernel(W, B, i, j):
    i1 = jnp.reshape(jnp.asarray(i, jnp.int32), (1,))
    j1 = jnp.reshape(jnp.asarray(j, jnp.int32), (1,))
    out = _glove_sc(i1, j1, W, B)
    return out[0]

# --- scband reference (transcript-rebuilt; emitter-appended) ---
"""Pipeline reference for scband-glove-12498354831507 (READ-ONLY COPY).

The authoritative reference and input builder live on the scoring server;
editing this copy changes nothing except your own understanding.
"""

import jax, jax.numpy as jnp
import numpy as np

V = 100000
K = 128

def setup_inputs(seed: int = 0) -> dict:
    key = jax.random.key(seed)
    kW, kB = jax.random.split(key)
    W = jax.random.normal(kW, (V, K), dtype=jnp.float32)
    B = jax.random.normal(kB, (V,), dtype=jnp.float32)
    i = 12345
    j = 67890
    return {"W": W, "B": B, "i": i, "j": j}

def reference(W, B, i, j):
    # Faithful translation of glove.forward: dot(W[i], W[j]) + B[i] + B[j]
    wi = jnp.take(W, i, axis=0)
    wj = jnp.take(W, j, axis=0)
    bi = jnp.take(B, i, axis=0)
    bj = jnp.take(B, j, axis=0)
    return jnp.dot(wi, wj) + bi + bj

if __name__ == "__main__":
    import jax
    _d = setup_inputs()
    print(jax.jit(kernel)(*tuple(_d.values())))

</pallas_src>

<mosaic_0001>
#map = affine_map<(d0, d1) -> (0)>
#map1 = affine_map<(d0, d1) -> (0, 0)>
module attributes {stable_mosaic.version = 14 : i64} {
  func.func @_glove_body(%arg0: i32, %arg1: i32, %arg2: memref<1xi32, #tpu.memory_space<hbm>>, %arg3: memref<1xi32, #tpu.memory_space<hbm>>, %arg4: memref<100000x128xf32, #tpu.memory_space<hbm>>, %arg5: memref<100000xf32, #tpu.memory_space<hbm>>, %arg6: memref<16xf32, #tpu.memory_space<hbm>>, %arg7: memref<16xi32, #tpu.memory_space<vmem>>, %arg8: memref<16xi32, #tpu.memory_space<vmem>>, %arg9: memref<2x128xf32, #tpu.memory_space<vmem>>, %arg10: memref<16xf32, #tpu.memory_space<vmem>>, %arg11: memref<16xf32, #tpu.memory_space<vmem>>, %arg12: memref<!tpu.dma_semaphore, #tpu.memory_space<semaphore_mem>>, %arg13: memref<!tpu.dma_semaphore, #tpu.memory_space<semaphore_mem>>) attributes {dimension_semantics = [#tpu.dimension_semantics<core_parallel>, #tpu.dimension_semantics<subcore_parallel>], iteration_bounds = array<i64: 1, 1>, scalar_prefetch = 0 : i64, scratch_operands = 7 : i64, tpu.core_type = #tpu.core_type<sc_vector_subcore>, window_params = [{transform_indices = #map}, {transform_indices = #map}, {transform_indices = #map1}, {transform_indices = #map}, {transform_indices = #map}]} {
    %eq3A = arith.constant 0 : i32
    %eq3A_0 = arith.cmpi eq, %arg0, %eq3A : i32
    %eq3A_1 = arith.constant 0 : i32
    %eq3A_2 = arith.cmpi eq, %arg1, %eq3A_1 : i32
    %and3A = arith.andi %eq3A_0, %eq3A_2 : i1
    %convert_element_type3A = arith.extui %and3A : i1 to i32
    %cond3A = arith.constant 0 : i32
    %cond3A_3 = arith.cmpi ne, %convert_element_type3A, %cond3A : i32
    scf.if %cond3A_3 {
      %iota3A = tpu.iota {dimensions = array<i32: 0>} : vector<16xi32>
      %dma_start3A = arith.constant 0 : i32
      %dma_start3A_4 = tpu.memref_slice %arg7[%dma_start3A] : memref<16xi32, #tpu.memory_space<vmem>> -> memref<1xi32, #tpu.memory_space<vmem>>
      %dma_start3A_5 = arith.constant 0 : i32
      %dma_start3A_6 = tpu.memref_slice %arg7[%dma_start3A_5] : memref<16xi32, #tpu.memory_space<vmem>> -> memref<1xi32, #tpu.memory_space<vmem>>
      tpu.enqueue_dma source(%arg2 : memref<1xi32, #tpu.memory_space<hbm>>) target(%dma_start3A_6 : memref<1xi32, #tpu.memory_space<vmem>>) target_semaphore(%arg12 : memref<!tpu.dma_semaphore, #tpu.memory_space<semaphore_mem>>)
      %dma_start3A_7 = arith.constant 8 : i32
      %dma_start3A_8 = tpu.memref_slice %arg7[%dma_start3A_7] : memref<16xi32, #tpu.memory_space<vmem>> -> memref<1xi32, #tpu.memory_space<vmem>>
      %dma_start3A_9 = arith.constant 8 : i32
      %dma_start3A_10 = tpu.memref_slice %arg7[%dma_start3A_9] : memref<16xi32, #tpu.memory_space<vmem>> -> memref<1xi32, #tpu.memory_space<vmem>>
      tpu.enqueue_dma source(%arg3 : memref<1xi32, #tpu.memory_space<hbm>>) target(%dma_start3A_10 : memref<1xi32, #tpu.memory_space<vmem>>) target_semaphore(%arg13 : memref<!tpu.dma_semaphore, #tpu.memory_space<semaphore_mem>>)
      %dma_wait3A = arith.constant 0 : i32
      %dma_wait3A_11 = tpu.memref_slice %arg7[%dma_wait3A] : memref<16xi32, #tpu.memory_space<vmem>> -> memref<1xi32, #tpu.memory_space<vmem>>
      %dma_wait3A_12 = arith.constant 0 : i32
      %dma_wait3A_13 = tpu.memref_slice %arg7[%dma_wait3A_12] : memref<16xi32, #tpu.memory_space<vmem>> -> memref<1xi32, #tpu.memory_space<vmem>>
      tpu.wait_dma2 semaphore(%arg12 : memref<!tpu.dma_semaphore, #tpu.memory_space<semaphore_mem>>) src(%arg2 : memref<1xi32, #tpu.memory_space<hbm>>) dst(%dma_wait3A_13 : memref<1xi32, #tpu.memory_space<vmem>>)
      %dma_wait3A_14 = arith.constant 8 : i32
      %dma_wait3A_15 = tpu.memref_slice %arg7[%dma_wait3A_14] : memref<16xi32, #tpu.memory_space<vmem>> -> memref<1xi32, #tpu.memory_space<vmem>>
      %dma_wait3A_16 = arith.constant 8 : i32
      %dma_wait3A_17 = tpu.memref_slice %arg7[%dma_wait3A_16] : memref<16xi32, #tpu.memory_space<vmem>> -> memref<1xi32, #tpu.memory_space<vmem>>
      tpu.wait_dma2 semaphore(%arg13 : memref<!tpu.dma_semaphore, #tpu.memory_space<semaphore_mem>>) src(%arg3 : memref<1xi32, #tpu.memory_space<hbm>>) dst(%dma_wait3A_17 : memref<1xi32, #tpu.memory_space<vmem>>)
      %get3A = arith.constant 0 : index
      %get3A_18 = tpu.vector_load %arg7[%get3A] {strides = array<i32>} : memref<16xi32, #tpu.memory_space<vmem>>, vector<16xi32>,
      %get3A_19 = vector.shape_cast %get3A_18 : vector<16xi32> to vector<16xi32>
      %eq3A_20 = arith.constant 0 : i32
      %eq3A_21 = vector.broadcast %eq3A_20 : i32 to vector<16xi32>
      %eq3A_22 = arith.cmpi eq, %iota3A, %eq3A_21 : vector<16xi32>
      %jit3A = arith.constant 0 : i32
      %jit3A_23 = arith.constant 8 : i32
      %broadcast_in_dim3A = vector.broadcast %jit3A : i32 to vector<16xi32>
      %broadcast_in_dim3A_24 = vector.broadcast %jit3A_23 : i32 to vector<16xi32>
      %select_n3A = arith.select %eq3A_22, %broadcast_in_dim3A, %broadcast_in_dim3A_24 : vector<16xi1>, vector<16xi32>
      %broadcast_in_dim3A_25 = vector.shape_cast %select_n3A : vector<16xi32> to vector<16x1xi32>
      %gather3A = vector.shape_cast %broadcast_in_dim3A_25 : vector<16x1xi32> to vector<16xi32>
      %gather3A_26 = tpu.dynamic_gather %get3A_19[%gather3A] in [0] : vector<16xi32>, vector<16xi32> -> vector<16xi32>
      %swap3A = arith.constant 0 : index
      %swap3A_27 = tpu.vector_load %arg8[%swap3A] {strides = array<i32>} : memref<16xi32, #tpu.memory_space<vmem>>, vector<16xi32>,
      %swap3A_28 = vector.shape_cast %swap3A_27 : vector<16xi32> to vector<16xi32>
      %swap3A_29 = vector.shape_cast %gather3A_26 : vector<16xi32> to vector<16xi32>
      tpu.vector_store %arg8[%swap3A], %swap3A_29 {strides = array<i32>} : memref<16xi32, #tpu.memory_space<vmem>>, vector<16xi32>,
      %dma_start3A_30 = arith.constant 0 : i32
      %dma_start3A_31 = tpu.memref_slice %arg8[%dma_start3A_30] : memref<16xi32, #tpu.memory_space<vmem>> -> memref<2xi32, #tpu.memory_space<vmem>>
      %dma_start3A_32 = arith.constant 0 : i32
      %dma_start3A_33 = arith.constant 0 : i32
      %dma_start3A_34 = tpu.memref_slice %arg4[%dma_start3A_32, %dma_start3A_33] : memref<100000x128xf32, #tpu.memory_space<hbm>> -> memref<100000x128xf32, #tpu.memory_space<hbm>>
      tpu.enqueue_indirect_dma source(%dma_start3A_34 : memref<100000x128xf32, #tpu.memory_space<hbm>>) target(%arg9 : memref<2x128xf32, #tpu.memory_space<vmem>>) offsets(%dma_start3A_31 : memref<2xi32, #tpu.memory_space<vmem>>) semaphore(%arg12 : memref<!tpu.dma_semaphore, #tpu.memory_space<semaphore_mem>>)
      %dma_start3A_35 = arith.constant 0 : i32
      %dma_start3A_36 = tpu.memref_slice %arg5[%dma_start3A_35] : memref<100000xf32, #tpu.memory_space<hbm>> -> memref<100000xf32, #tpu.memory_space<hbm>>
      tpu.enqueue_indirect_dma source(%dma_start3A_36 : memref<100000xf32, #tpu.memory_space<hbm>>) target(%arg10 : memref<16xf32, #tpu.memory_space<vmem>>) offsets(%arg8 : memref<16xi32, #tpu.memory_space<vmem>>) semaphore(%arg13 : memref<!tpu.dma_semaphore, #tpu.memory_space<semaphore_mem>>)
      %dma_wait3A_37 = arith.constant 0 : i32
      %dma_wait3A_38 = tpu.memref_slice %arg8[%dma_wait3A_37] : memref<16xi32, #tpu.memory_space<vmem>> -> memref<2xi32, #tpu.memory_space<vmem>>
      %dma_wait3A_39 = arith.constant 0 : i32
      %dma_wait3A_40 = arith.constant 0 : i32
      %dma_wait3A_41 = tpu.memref_slice %arg4[%dma_wait3A_39, %dma_wait3A_40] : memref<100000x128xf32, #tpu.memory_space<hbm>> -> memref<100000x128xf32, #tpu.memory_space<hbm>>
      tpu.wait_indirect_dma semaphore(%arg12 : memref<!tpu.dma_semaphore, #tpu.memory_space<semaphore_mem>>) src(%dma_wait3A_41 : memref<100000x128xf32, #tpu.memory_space<hbm>>) dst(%arg9 : memref<2x128xf32, #tpu.memory_space<vmem>>)
      %get3A_42 = arith.constant 0 : i32
      %get3A_43 = arith.index_cast %get3A_42 : i32 to index
      %get3A_44 = arith.constant 0 : index
      %get3A_45 = tpu.vector_load %arg9[%get3A_43, %get3A_44] {strides = array<i32>} : memref<2x128xf32, #tpu.memory_space<vmem>>, vector<1x16xf32>,
      %get3A_46 = vector.shape_cast %get3A_45 : vector<1x16xf32> to vector<16xf32>
      %get3A_47 = arith.constant 1 : i32
      %get3A_48 = arith.index_cast %get3A_47 : i32 to index
      %get3A_49 = arith.constant 0 : index
      %get3A_50 = tpu.vector_load %arg9[%get3A_48, %get3A_49] {strides = array<i32>} : memref<2x128xf32, #tpu.memory_space<vmem>>, vector<1x16xf32>,
      %get3A_51 = vector.shape_cast %get3A_50 : vector<1x16xf32> to vector<16xf32>
      %mul3A = arith.mulf %get3A_46, %get3A_51 : vector<16xf32>
      %get3A_52 = arith.constant 0 : i32
      %get3A_53 = arith.index_cast %get3A_52 : i32 to index
      %get3A_54 = arith.constant 16 : index
      %get3A_55 = tpu.vector_load %arg9[%get3A_53, %get3A_54] {strides = array<i32>} : memref<2x128xf32, #tpu.memory_space<vmem>>, vector<1x16xf32>,
      %get3A_56 = vector.shape_cast %get3A_55 : vector<1x16xf32> to vector<16xf32>
      %get3A_57 = arith.constant 1 : i32
      %get3A_58 = arith.index_cast %get3A_57 : i32 to index
      %get3A_59 = arith.constant 16 : index
      %get3A_60 = tpu.vector_load %arg9[%get3A_58, %get3A_59] {strides = array<i32>} : memref<2x128xf32, #tpu.memory_space<vmem>>, vector<1x16xf32>,
      %get3A_61 = vector.shape_cast %get3A_60 : vector<1x16xf32> to vector<16xf32>
      %mul3A_62 = arith.mulf %get3A_56, %get3A_61 : vector<16xf32>
      %add3A = arith.addf %mul3A, %mul3A_62 : vector<16xf32>
      %get3A_63 = arith.constant 0 : i32
      %get3A_64 = arith.index_cast %get3A_63 : i32 to index
      %get3A_65 = arith.constant 32 : index
      %get3A_66 = tpu.vector_load %arg9[%get3A_64, %get3A_65] {strides = array<i32>} : memref<2x128xf32, #tpu.memory_space<vmem>>, vector<1x16xf32>,
      %get3A_67 = vector.shape_cast %get3A_66 : vector<1x16xf32> to vector<16xf32>
      %get3A_68 = arith.constant 1 : i32
      %get3A_69 = arith.index_cast %get3A_68 : i32 to index
      %get3A_70 = arith.constant 32 : index
      %get3A_71 = tpu.vector_load %arg9[%get3A_69, %get3A_70] {strides = array<i32>} : memref<2x128xf32, #tpu.memory_space<vmem>>, vector<1x16xf32>,
      %get3A_72 = vector.shape_cast %get3A_71 : vector<1x16xf32> to vector<16xf32>
      %mul3A_73 = arith.mulf %get3A_67, %get3A_72 : vector<16xf32>
      %add3A_74 = arith.addf %add3A, %mul3A_73 : vector<16xf32>
      %get3A_75 = arith.constant 0 : i32
      %get3A_76 = arith.index_cast %get3A_75 : i32 to index
      %get3A_77 = arith.constant 48 : index
      %get3A_78 = tpu.vector_load %arg9[%get3A_76, %get3A_77] {strides = array<i32>} : memref<2x128xf32, #tpu.memory_space<vmem>>, vector<1x16xf32>,
      %get3A_79 = vector.shape_cast %get3A_78 : vector<1x16xf32> to vector<16xf32>
      %get3A_80 = arith.constant 1 : i32
      %get3A_81 = arith.index_cast %get3A_80 : i32 to index
      %get3A_82 = arith.constant 48 : index
      %get3A_83 = tpu.vector_load %arg9[%get3A_81, %get3A_82] {strides = array<i32>} : memref<2x128xf32, #tpu.memory_space<vmem>>, vector<1x16xf32>,
      %get3A_84 = vector.shape_cast %get3A_83 : vector<1x16xf32> to vector<16xf32>
      %mul3A_85 = arith.mulf %get3A_79, %get3A_84 : vector<16xf32>
      %add3A_86 = arith.addf %add3A_74, %mul3A_85 : vector<16xf32>
      %get3A_87 = arith.constant 0 : i32
      %get3A_88 = arith.index_cast %get3A_87 : i32 to index
      %get3A_89 = arith.constant 64 : index
      %get3A_90 = tpu.vector_load %arg9[%get3A_88, %get3A_89] {strides = array<i32>} : memref<2x128xf32, #tpu.memory_space<vmem>>, vector<1x16xf32>,
      %get3A_91 = vector.shape_cast %get3A_90 : vector<1x16xf32> to vector<16xf32>
      %get3A_92 = arith.constant 1 : i32
      %get3A_93 = arith.index_cast %get3A_92 : i32 to index
      %get3A_94 = arith.constant 64 : index
      %get3A_95 = tpu.vector_load %arg9[%get3A_93, %get3A_94] {strides = array<i32>} : memref<2x128xf32, #tpu.memory_space<vmem>>, vector<1x16xf32>,
      %get3A_96 = vector.shape_cast %get3A_95 : vector<1x16xf32> to vector<16xf32>
      %mul3A_97 = arith.mulf %get3A_91, %get3A_96 : vector<16xf32>
      %add3A_98 = arith.addf %add3A_86, %mul3A_97 : vector<16xf32>
      %get3A_99 = arith.constant 0 : i32
      %get3A_100 = arith.index_cast %get3A_99 : i32 to index
      %get3A_101 = arith.constant 80 : index
      %get3A_102 = tpu.vector_load %arg9[%get3A_100, %get3A_101] {strides = array<i32>} : memref<2x128xf32, #tpu.memory_space<vmem>>, vector<1x16xf32>,
      %get3A_103 = vector.shape_cast %get3A_102 : vector<1x16xf32> to vector<16xf32>
      %get3A_104 = arith.constant 1 : i32
      %get3A_105 = arith.index_cast %get3A_104 : i32 to index
      %get3A_106 = arith.constant 80 : index
      %get3A_107 = tpu.vector_load %arg9[%get3A_105, %get3A_106] {strides = array<i32>} : memref<2x128xf32, #tpu.memory_space<vmem>>, vector<1x16xf32>,
      %get3A_108 = vector.shape_cast %get3A_107 : vector<1x16xf32> to vector<16xf32>
      %mul3A_109 = arith.mulf %get3A_103, %get3A_108 : vector<16xf32>
      %add3A_110 = arith.addf %add3A_98, %mul3A_109 : vector<16xf32>
      %get3A_111 = arith.constant 0 : i32
      %get3A_112 = arith.index_cast %get3A_111 : i32 to index
      %get3A_113 = arith.constant 96 : index
      %get3A_114 = tpu.vector_load %arg9[%get3A_112, %get3A_113] {strides = array<i32>} : memref<2x128xf32, #tpu.memory_space<vmem>>, vector<1x16xf32>,
      %get3A_115 = vector.shape_cast %get3A_114 : vector<1x16xf32> to vector<16xf32>
      %get3A_116 = arith.constant 1 : i32
      %get3A_117 = arith.index_cast %get3A_116 : i32 to index
      %get3A_118 = arith.constant 96 : index
      %get3A_119 = tpu.vector_load %arg9[%get3A_117, %get3A_118] {strides = array<i32>} : memref<2x128xf32, #tpu.memory_space<vmem>>, vector<1x16xf32>,
      %get3A_120 = vector.shape_cast %get3A_119 : vector<1x16xf32> to vector<16xf32>
      %mul3A_121 = arith.mulf %get3A_115, %get3A_120 : vector<16xf32>
      %add3A_122 = arith.addf %add3A_110, %mul3A_121 : vector<16xf32>
      %get3A_123 = arith.constant 0 : i32
      %get3A_124 = arith.index_cast %get3A_123 : i32 to index
      %get3A_125 = arith.constant 112 : index
      %get3A_126 = tpu.vector_load %arg9[%get3A_124, %get3A_125] {strides = array<i32>} : memref<2x128xf32, #tpu.memory_space<vmem>>, vector<1x16xf32>,
      %get3A_127 = vector.shape_cast %get3A_126 : vector<1x16xf32> to vector<16xf32>
      %get3A_128 = arith.constant 1 : i32
      %get3A_129 = arith.index_cast %get3A_128 : i32 to index
      %get3A_130 = arith.constant 112 : index
      %get3A_131 = tpu.vector_load %arg9[%get3A_129, %get3A_130] {strides = array<i32>} : memref<2x128xf32, #tpu.memory_space<vmem>>, vector<1x16xf32>,
      %get3A_132 = vector.shape_cast %get3A_131 : vector<1x16xf32> to vector<16xf32>
      %mul3A_133 = arith.mulf %get3A_127, %get3A_132 : vector<16xf32>
      %add3A_134 = arith.addf %add3A_122, %mul3A_133 : vector<16xf32>
      %dma_wait3A_135 = arith.constant 0 : i32
      %dma_wait3A_136 = tpu.memref_slice %arg5[%dma_wait3A_135] : memref<100000xf32, #tpu.memory_space<hbm>> -> memref<100000xf32, #tpu.memory_space<hbm>>
      tpu.wait_indirect_dma semaphore(%arg13 : memref<!tpu.dma_semaphore, #tpu.memory_space<semaphore_mem>>) src(%dma_wait3A_136 : memref<100000xf32, #tpu.memory_space<hbm>>) dst(%arg10 : memref<16xf32, #tpu.memory_space<vmem>>)
      %lt3A = arith.constant 2 : i32
      %lt3A_137 = vector.broadcast %lt3A : i32 to vector<16xi32>
      %lt3A_138 = arith.cmpi slt, %iota3A, %lt3A_137 : vector<16xi32>
      %get3A_139 = arith.constant 0 : index
      %get3A_140 = tpu.vector_load %arg10[%get3A_139] {strides = array<i32>} : memref<16xf32, #tpu.memory_space<vmem>>, vector<16xf32>,
      %get3A_141 = vector.shape_cast %get3A_140 : vector<16xf32> to vector<16xf32>
      %jit3A_142 = arith.constant 0.000000e+00 : f32
      %broadcast_in_dim3A_143 = vector.broadcast %jit3A_142 : f32 to vector<16xf32>
      %select_n3A_144 = arith.select %lt3A_138, %get3A_141, %broadcast_in_dim3A_143 : vector<16xi1>, vector<16xf32>
      %add3A_145 = arith.addf %add3A_134, %select_n3A_144 : vector<16xf32>
      %add3A_146 = arith.constant 8 : i32
      %add3A_147 = vector.broadcast %add3A_146 : i32 to vector<16xi32>
      %add3A_148 = arith.addi %iota3A, %add3A_147 : vector<16xi32>
      %and3A_149 = arith.constant 15 : i32
      %and3A_150 = vector.broadcast %and3A_149 : i32 to vector<16xi32>
      %and3A_151 = arith.andi %add3A_148, %and3A_150 : vector<16xi32>
      %broadcast_in_dim3A_152 = vector.shape_cast %and3A_151 : vector<16xi32> to vector<16x1xi32>
      %gather3A_153 = vector.shape_cast %broadcast_in_dim3A_152 : vector<16x1xi32> to vector<16xi32>
      %gather3A_154 = tpu.dynamic_gather %add3A_145[%gather3A_153] in [0] : vector<16xf32>, vector<16xi32> -> vector<16xf32>
      %add3A_155 = arith.addf %add3A_145, %gather3A_154 : vector<16xf32>
      %add3A_156 = arith.constant 4 : i32
      %add3A_157 = vector.broadcast %add3A_156 : i32 to vector<16xi32>
      %add3A_158 = arith.addi %iota3A, %add3A_157 : vector<16xi32>
      %and3A_159 = arith.constant 15 : i32
      %and3A_160 = vector.broadcast %and3A_159 : i32 to vector<16xi32>
      %and3A_161 = arith.andi %add3A_158, %and3A_160 : vector<16xi32>
      %broadcast_in_dim3A_162 = vector.shape_cast %and3A_161 : vector<16xi32> to vector<16x1xi32>
      %gather3A_163 = vector.shape_cast %broadcast_in_dim3A_162 : vector<16x1xi32> to vector<16xi32>
      %gather3A_164 = tpu.dynamic_gather %add3A_155[%gather3A_163] in [0] : vector<16xf32>, vector<16xi32> -> vector<16xf32>
      %add3A_165 = arith.addf %add3A_155, %gather3A_164 : vector<16xf32>
      %add3A_166 = arith.constant 2 : i32
      %add3A_167 = vector.broadcast %add3A_166 : i32 to vector<16xi32>
      %add3A_168 = arith.addi %iota3A, %add3A_167 : vector<16xi32>
      %and3A_169 = arith.constant 15 : i32
      %and3A_170 = vector.broadcast %and3A_169 : i32 to vector<16xi32>
      %and3A_171 = arith.andi %add3A_168, %and3A_170 : vector<16xi32>
      %broadcast_in_dim3A_172 = vector.shape_cast %and3A_171 : vector<16xi32> to vector<16x1xi32>
      %gather3A_173 = vector.shape_cast %broadcast_in_dim3A_172 : vector<16x1xi32> to vector<16xi32>
      %gather3A_174 = tpu.dynamic_gather %add3A_165[%gather3A_173] in [0] : vector<16xf32>, vector<16xi32> -> vector<16xf32>
      %add3A_175 = arith.addf %add3A_165, %gather3A_174 : vector<16xf32>
      %add3A_176 = arith.constant 1 : i32
      %add3A_177 = vector.broadcast %add3A_176 : i32 to vector<16xi32>
      %add3A_178 = arith.addi %iota3A, %add3A_177 : vector<16xi32>
      %and3A_179 = arith.constant 15 : i32
      %and3A_180 = vector.broadcast %and3A_179 : i32 to vector<16xi32>
      %and3A_181 = arith.andi %add3A_178, %and3A_180 : vector<16xi32>
      %broadcast_in_dim3A_182 = vector.shape_cast %and3A_181 : vector<16xi32> to vector<16x1xi32>
      %gather3A_183 = vector.shape_cast %broadcast_in_dim3A_182 : vector<16x1xi32> to vector<16xi32>
      %gather3A_184 = tpu.dynamic_gather %add3A_175[%gather3A_183] in [0] : vector<16xf32>, vector<16xi32> -> vector<16xf32>
      %add3A_185 = arith.addf %add3A_175, %gather3A_184 : vector<16xf32>
      %swap3A_186 = arith.constant 0 : index
      %swap3A_187 = tpu.vector_load %arg11[%swap3A_186] {strides = array<i32>} : memref<16xf32, #tpu.memory_space<vmem>>, vector<16xf32>,
      %swap3A_188 = vector.shape_cast %swap3A_187 : vector<16xf32> to vector<16xf32>
      %swap3A_189 = vector.shape_cast %add3A_185 : vector<16xf32> to vector<16xf32>
      tpu.vector_store %arg11[%swap3A_186], %swap3A_189 {strides = array<i32>} : memref<16xf32, #tpu.memory_space<vmem>>, vector<16xf32>,
      "tpu.region"() ({
        %run_scoped3A = tpu.sem_alloc : memref<!tpu.dma_semaphore, #tpu.memory_space<semaphore_mem>>
        tpu.enqueue_dma source(%arg11 : memref<16xf32, #tpu.memory_space<vmem>>) target(%arg6 : memref<16xf32, #tpu.memory_space<hbm>>) target_semaphore(%run_scoped3A : memref<!tpu.dma_semaphore, #tpu.memory_space<semaphore_mem>>)
        tpu.wait_dma2 semaphore(%run_scoped3A : memref<!tpu.dma_semaphore, #tpu.memory_space<semaphore_mem>>) src(%arg11 : memref<16xf32, #tpu.memory_space<vmem>>) dst(%arg6 : memref<16xf32, #tpu.memory_space<hbm>>)
        tpu.yield
      }) : () -> ()
    } else {
    }
    return
  }
}

</mosaic_0001>

<sc_bundles>
// kernel: kernel.3.cloned.1.call-start
scs
__scs_entry_jumppad:
0x0: {  	(pc) =	sbr.rel $0x88, $3  }
0x1: {  	(tag) =	ssettag $0x0;
	lr =	simm.s32 $0x1  }
0x2: {  	[smem:$0x3F9D] =	sst lr;
	_ =	strace $0xD0000000  }
0x3: {  	_ = 	snop  }
0x4: {  	_ = 	snop  }
0x5: {  	_ = 	snop  }
0x6: {  	_ = 	snop  }
0x7: {  	_ = 	snop  }
__scs_overlays_trampoline_lowered:
0x8: {  	[smem:$0x3FAC] =	sst s0  }
0x9: {  	[smem:$0x3FAD] =	sst s1  }
0xa: {  	[smem:$0x3FAE] =	sst s2  }
0xb: {  	[smem:$0x3FAF] =	sst s3  }
0xc: {  	[smem:$0x3FB0] =	sst s4  }
0xd: {  	[smem:$0x3FB1] =	sst s5  }
0xe: {  	[smem:$0x3FB2] =	sst s6  }
0xf: {  	[smem:$0x3FB3] =	sst s7  }
0x10: {  	[smem:$0x3FB4] =	sst s8  }
0x11: {  	[smem:$0x3FB5] =	sst s9;
	s0 =	simm.s32 @!p0 $0x0  }
0x12: {  	s1 =	sld [smem:$0x3F9B];
	s0 =	simm.s32 @p0 $0x1  }
0x13: {  	[smem:$0x3FB6] =	sst s0;
	s0 =	simm.s32 @!p1 $0x0  }
0x14: {  	s2 =	sld [smem:$0x3F9A];
	s0 =	simm.s32 @p1 $0x1  }
0x15: {  	[smem:$0x3FB7] =	sst s0;
	s0 =	simm.s32 @!p2 $0x0  }
0x16: {  	s3 =	sld [smem:$0x3FDB];
	s0 =	simm.s32 @p2 $0x1  }
0x17: {  	s4 =	simm.s32 $0x1BF5;
	[smem:$0x3FB9] =	sst s0  }
0x18: {  	s0 =	sld [smem:$0x3F9C];
	_ =	swait.ge [sflag:s4], $0x0  }
0x19: {  	s7 =	sld [smem:$0x3F9D]  }
0x1a: {  	s8 =	sadd.s32 $0xFFFFE003, lr  }
0x1b: {  	s9 =	sadd.s32 $0xFFFFFEF7, lr;
	s5 =	simm.s32 $0xFFFFFFFF;
	p2 =	slt.u32 s8, $0xFFFFF086  }
0x1c: {  	p1 =	slt.u32 s9, $0xF7A;
	s5 =	simm.s32 @!p2 $0x0  }
0x1d: {  	s5 =	simm.s32 @p1 $0x1;
	p0 =	seq.s32 s7, s2  }
0x1e: {  	s7 =	smul.u32 @!p0 $0xF7A, s2;
	p2 =	seq.s32 @!p0 s5, $0x0  }
0x1f: {  	s9 =	smul.u32 $0xF7A, s1;
	s8 =	simm.s32 @!p0 $0x1BF5;
	p2 =	por !p2, p0  }
0x20: {  	[sflag:s8] =	ssyncset.s32 @!p0 $0xFFFFF086;
	s6 =	sadd.s32 @!p0 s3, s7;
	s7 =	simm.s32 @!p0 $0x108  }
0x21: {  	s3 =	sadd.s32 s3, s9;
	s6 =	sadd.s32 @!p0 $0x88, s6;
	s7 =	simm.s32 @p2 $0x1082  }
0x22: {  	[simem:s7], [sflag:s8] =	dma.local @!p0 [hbm:s6], $0xF7A  }
0x23: {  	s9 =	sor.u32 $0xD0000000, s2;
	s6 =	simm.s32 $0x108;
	_ =	swait.ge @!p0 [sflag:s8], $0x0  }
0x24: {  	s3 =	sadd.s32 $0x88, s3;
	s6 =	simm.s32 @!p1 $0x1082;
	[sflag:s4] =	ssyncset.s32 $0xFFFFF086  }
0x25: {  	[simem:s6], [sflag:s4] =	dma.local [hbm:s3], $0xF7A  }
0x26: {  	[smem:$0x3F9D] =	sst s1;
	(tag) =	ssettag s2;
	_ =	strace s9  }
0x27: {  	s1 =	sld [smem:$0x3FAD]  }
0x28: {  	s2 =	sld [smem:$0x3FAE]  }
0x29: {  	s4 =	sld [smem:$0x3FB0]  }
0x2a: {  	p0 =	seq.s32 s5, $0x0;
	s5 =	sld [smem:$0x3FB1]  }
0x2b: {  	s6 =	sld [smem:$0x3FB2]  }
0x2c: {  	s7 =	sld [smem:$0x3FB3]  }
0x2d: {  	s3 =	simm.s32 $0x108;
	s8 =	sld [smem:$0x3FB4]  }
0x2e: {  	s3 =	simm.s32 @!p0 $0x1082;
	s9 =	sld [smem:$0x3FB5]  }
0x2f: {  	lr =	sadd.s32 s0, s3;
	s0 =	sld [smem:$0x3FAC]  }
0x30: {  	s3 =	sld [smem:$0x3FAF]  }
0x31: {  	[smem:$0x3FB8] =	sst s10  }
0x32: {  	s10 =	sld [smem:$0x3FB6];
	_ =	sdelay $0x3  }
0x33: {  	p0 =	seq.s32 s10, $0x1;
	s10 =	sld [smem:$0x3FB8];
	_ =	sdelay $0x3  }
0x34: {  	[smem:$0x3FB8] =	sst s10  }
0x35: {  	s10 =	sld [smem:$0x3FB7];
	_ =	sdelay $0x3  }
0x36: {  	p1 =	seq.s32 s10, $0x1;
	s10 =	sld [smem:$0x3FB8];
	_ =	sdelay $0x3  }
0x37: {  	[smem:$0x3FB8] =	sst s10  }
0x38: {  	s10 =	sld [smem:$0x3FB9]  }
0x39: {  	_ = 	snop;
	(pc) =	sbr.ind lr, $3  }
0x3a: {  	_ = 	snop  }
0x3b: {  	_ = 	snop  }
0x3c: {  	p2 =	seq.s32 s10, $0x1;
	s10 =	sld [smem:$0x3FB8]  }
0x3d: {  	_ =	shalt  }
0x3e: {  	_ =	shalt  }
0x3f: {  	_ =	shalt  }
0x40: {  	_ =	shalt  }
0x41: {  	_ =	shalt  }
0x42: {  	_ =	shalt  }
0x43: {  	_ =	shalt  }
0x44: {  	_ =	shalt  }
0x45: {  	_ =	shalt  }
0x46: {  	_ =	shalt  }
0x47: {  	_ =	shalt  }
0x48: {  	_ =	shalt  }
0x49: {  	_ =	shalt  }
0x4a: {  	_ =	shalt  }
0x4b: {  	_ =	shalt  }
0x4c: {  	_ =	shalt  }
0x4d: {  	_ =	shalt  }
0x4e: {  	_ =	shalt  }
0x4f: {  	_ =	shalt  }
0x50: {  	_ =	shalt  }
0x51: {  	_ =	shalt  }
0x52: {  	_ =	shalt  }
0x53: {  	_ =	shalt  }
0x54: {  	_ =	shalt  }
0x55: {  	_ =	shalt  }
0x56: {  	_ =	shalt  }
0x57: {  	_ =	shalt  }
0x58: {  	_ =	shalt  }
0x59: {  	_ =	shalt  }
0x5a: {  	_ =	shalt  }
0x5b: {  	_ =	shalt  }
0x5c: {  	_ =	shalt  }
0x5d: {  	_ =	shalt  }
0x5e: {  	_ =	shalt  }
0x5f: {  	_ =	shalt  }
0x60: {  	_ =	shalt  }
0x61: {  	_ =	shalt  }
0x62: {  	_ =	shalt  }
0x63: {  	_ =	shalt  }
0x64: {  	_ =	shalt  }
0x65: {  	_ =	shalt  }
0x66: {  	_ =	shalt  }
0x67: {  	_ =	shalt  }
0x68: {  	_ =	shalt  }
0x69: {  	_ =	shalt  }
0x6a: {  	_ =	shalt  }
0x6b: {  	_ =	shalt  }
0x6c: {  	_ =	shalt  }
0x6d: {  	_ =	shalt  }
0x6e: {  	_ =	shalt  }
0x6f: {  	_ =	shalt  }
0x70: {  	_ =	shalt  }
0x71: {  	_ =	shalt  }
0x72: {  	_ =	shalt  }
0x73: {  	_ =	shalt  }
0x74: {  	_ =	shalt  }
0x75: {  	_ =	shalt  }
0x76: {  	_ =	shalt  }
0x77: {  	_ =	shalt  }
0x78: {  	_ =	shalt  }
0x79: {  	_ =	shalt  }
0x7a: {  	_ =	shalt  }
0x7b: {  	_ =	shalt  }
0x7c: {  	_ =	shalt  }
0x7d: {  	_ =	shalt  }
0x7e: {  	_ =	shalt  }
0x7f: {  	_ =	shalt  }
0x80: {  	_ =	shalt  }
0x81: {  	_ =	shalt  }
0x82: {  	_ =	shalt  }
0x83: {  	_ =	shalt  }
0x84: {  	_ =	shalt  }
0x85: {  	_ =	shalt  }
0x86: {  	_ =	shalt  }
0x87: {  	_ =	shalt  }
.Lfunc_end0:
.L_simem_size_0:
called_computation_lowered:
.L_overlay_start_0:
0x88: {  	s0 =	sld [smem:$0x3FD9]  }
0x89: {  	s1 =	sld [smem:$0x3FFE];
	_ =	sdelay $0x3  }
0x8a: {  	s0 =	sadd.s32 s1, s0  }
0x8b: {  	[smem:$0x3FC4] =	sst s0  }
0x8c: {  	_ = 	snop  }
0x8d: {  	s0 =	sld [smem:$0x3FC9]  }
0x8e: {  	s17 =	sld [smem:$0x3FC8]  }
0x8f: {  	s2 =	sld [smem:$0x3FC7]  }
0x90: {  	s3 =	sld [smem:$0x3FC6]  }
0x91: {  	s4 =	sld [smem:$0x3FD0];
	(tm) =	ssettm $0x1  }
0x92: {  	s5 =	sld [smem:$0x3FFB];
	_ =	sdelay $0x3  }
0x93: {  	_ =	strace s5  }
0x94: {  	s5 =	sld [smem:$0x3FFC];
	_ =	sdelay $0x3  }
0x95: {  	_ =	strace s5  }
0x96: {  	s5 =	sld [smem:$0x3FFD];
	_ =	sdelay $0x3  }
0x97: {  	_ =	strace s5  }
0x98: {  	_ =	strace $0x8FFFFFFF  }
0x99: {  	s18 =	sld [smem:$0x3FDB];
	_ =	sdelay $0x1  }
0x9a: {  	s6 =	simm.s32 $_scs_section_size  }
0x9b: {  	s7 =	simm.s32 $_size__tile_overlayer_lowered;
	s8 =	simm.s32 $_tile_overlayer_lowered  }
0x9c: {  	s21 =	simm.s32 $0x1BFF;
	s20 =	sshll.u32 s8, $0x1;
	s5 =	sadd.s32 s6, s18  }
0x9d: {  	s9 =	simm.s32 $0x0;
	s19 =	sshll.u32 s7, $0x1;
	s7 =	sadd.s32 s20, s5  }
0x9e: {  	[timem:s9], [sflag:s21] =	dma.local [hbm:s7], s19  }
0x9f: {  	_ =	swait.ge [sflag:s21], s19  }
0xa0: {  	s6 =	ssub.s32 $0x0, s19;
	[sflag:s21] =	ssyncset.done $0x0  }
0xa1: {  	[sflag:s21] =	ssyncadd.s32 s6;
	_ =	sdelay $0x1  }
0xa2: {  	s22 =	simm.s32 $0x1B8B  }
0xa3: {  	_ =	swait.ge [sflag:s22], $0x1  }
0xa4: {  	[sflag:s22] =	ssyncset.done $0x0  }
0xa5: {  	s23 =	simm.s32 $0x1B8E;
	[sflag:s22] =	ssyncadd.s32 $0xFFFFFFFF  }
0xa6: {  	s24 =	simm.s32 $execute0_lowered;
	[smem:$0x3FD2] =	sst s23  }
0xa7: {  	s6 =	sshll.u32 s24, $0x1;
	_ =	strace $0x80000046;
	[dreg:$0x1] =	wrdreg $0xFFFFFFFF  }
0xa8: {  	s25 =	simm.s32 $_size_execute0_lowered;
	s5 =	sadd.s32 s5, s6;
	[dreg:$0x0] =	wrdreg $0x0  }
0xa9: {  	s6 =	sshll.u32 s25, $0x1;
	[dreg:$0x2] =	wrdreg s5  }
0xaa: {  	[dreg:$0x3] =	wrdreg s6  }
0xab: {  	[dreg:$0x4] =	wrdreg $0xC0  }
0xac: {  	_ =	task [dreg:s9], $0x5FFFF  }
0xad: {  	[dreg:$0x1] =	wrdreg $0xFFFFFFFF  }
0xae: {  	[dreg:$0x0] =	wrdreg $0x60  }
0xaf: {  	[dreg:$0x2] =	wrdreg s2  }
0xb0: {  	[dreg:$0x3] =	wrdreg s3  }
0xb1: {  	[dreg:$0x4] =	wrdreg s0  }
0xb2: {  	[dreg:$0x5] =	wrdreg s17  }
0xb3: {  	[dreg:$0x6] =	wrdreg s4  }
0xb4: {  	[dreg:$0x7] =	wrdreg $0x9  }
0xb5: {  	_ =	task.clear_ibuf [dreg:s9], $0x8FFFF;
	_ =	strace $0x90000046  }
0xb6: {  	s26 =	simm.s32 $0x9;
	_ =	strace $0x80000048  }
0xb7: {  	_ =	swait.ge [sflag:s26], $0x1  }
0xb8: {  	[sflag:s26] =	ssyncadd.s32 $0xFFFFFFFF  }
0xb9: {  	_ =	strace $0x90000048  }
0xba: {  	_ =	sfence  }
0xbb: {  	s28 =	sld [smem:$0x0];
	_ =	sdelay $0x1  }
0xbc: {  	s29 =	srdreg.scid  }
0xbd: {  	s30 =	sshll.u32 s29, $0xD;
	s31 =	sshrl.u32 s29, $0x2  }
0xbe: {  	s1 =	sand.u32 $0x1, s29;
	s2 =	sand.u32 $0x4000, s30;
	s0 =	sadd.s32 s31, s28  }
0xbf: {  	s1 =	sor.u32 s2, s1;
	s0 =	sshll.u32 s0, $0x11  }
0xc0: {  	s0 =	sor.u32 s0, s1  }
0xc1: {  	s0 =	sadd.s32 $0x8F2B, s0  }
0xc2: {  	[sflag:s0] =	ssyncadd.remote.s32 $0x1  }
0xc3: {  	_ =	sfence.sel $0xFFFF  }
0xc4: {  	[dreg:$0x0] =	wrdreg $0xFFFFFFFF;
	(pc) =	sbr.abs _section_cstart, $3  }
0xc5: {  	[dreg:$0x1] =	wrdreg $0xFFFFFFFF  }
0xc6: {  	_ =	task.clear_ibuf [dreg:s9], $0x2FFFF;
	_ =	strace $0x9FFFFFFF  }
0xc7: {  	(tm) =	ssettm $0x7FFFFFFF  }
tec
execute0_lowered:
.L_overlay_start_1:
0x0: {  	(tag) =	ssettag $0x1  }
0x1: {  	s2 =	stileid.u32  }
0x2: {  	s6 =	rddreg [dreg:$0x0];
	p0 =	sne.s32 s2, $0x0  }
.Ltmp0:
0x3: {  	s5 =	rddreg [dreg:$0x1];
	(pc) =	sbr.rel @p0 .LBB2_2-.Ltmp0, $4  }
0x4: {  	s4 =	rddreg [dreg:$0x2]  }
0x5: {  	s3 =	rddreg [dreg:$0x3]  }
0x6: {  	s1 =	rddreg [dreg:$0x4]  }
0x7: {  	s0 =	rddreg [dreg:$0x5];
	_ =	strace $0x80000047  }
0x8: {  	s2 =	simm.s32 $0x0  }
0x9: {  	[tilespmem:s2], [sflag:$0x1] =	stream.linear.gather [hbm4b:s6+s2], $0x1, $0x38;
	[tilespmem:$0x300] =	vst v63  }
0xa: {  	s24 =	simm.s32 $0x8;
	s25 =	simm.s32 $0x1  }
0xb: {  	[tilespmem:s24], [sflag:$0x2] =	stream.linear.gather [hbm4b:s5+s2], $0x1, $0x38;
	[tilespmem:$0x300] =	vst v63  }
0xc: {  	_ =	swait.ge [sflag:s25], $0x1  }
0xd: {  	[sflag:s25] =	ssyncset.done $0x0  }
0xe: {  	s26 =	simm.s32 $0x2;
	[sflag:s25] =	ssyncadd.s32 $0xFFFFFFFF  }
0xf: {  	_ =	swait.ge [sflag:s26], $0x1  }
0x10: {  	[sflag:s26] =	ssyncset.done $0x0  }
0x11: {  	[sflag:s26] =	ssyncadd.s32 $0xFFFFFFFF  }
0x12: {  	v0 =	vld [tilespmem:$0x0];
	_ =	sdelay $0x2  }
0x13: {  	v1 =	vimm.s32 $0x8;
	vm0 =	vcmask $0x300  }
0x14: {  	v1 =	vsel vm0, $0x0, v1  }
0x15: {  	v0 =	vperm.xlane v0, v1;
	_ =	sdelay $0x1  }
0x16: {  	s7 =	simm.s32 $0x80;
	s8 =	simm.s32 $0x100;
	[tilespmem:$0x80] =	vst v0  }
0x17: {  	[tilespmem:s8], [sflag:$0x1] =	stream.indirect.gather [hbm4b:s4+s26], $0x80, s7, s26, $0xb8;
	[tilespmem:$0x300] =	vst v63  }
0x18: {  	s28 =	simm.s32 $0x10;
	s29 =	simm.s32 $0x200  }
0x19: {  	[tilespmem:s29], [sflag:$0x2] =	stream.indirect.gather [hbm4b:s3+s28], $0x1, s7, s28, $0xb8;
	[tilespmem:$0x300] =	vst v63  }
0x1a: {  	_ =	swait.ge [sflag:s25], $0x100  }
0x1b: {  	[sflag:s25] =	ssyncset.done $0x0  }
0x1c: {  	[sflag:s25] =	ssyncadd.s32 $0xFFFFFF00  }
0x1d: {  	v36 =	vld [tilespmem:$0x100]  }
0x1e: {  	v37 =	vld [tilespmem:$0x180]  }
0x1f: {  	v2 =	vld [tilespmem:$0x110]  }
0x20: {  	v3 =	vld [tilespmem:$0x190]  }
0x21: {  	v4 =	vld [tilespmem:$0x120]  }
0x22: {  	v5 =	vld [tilespmem:$0x1A0]  }
0x23: {  	v6 =	vld [tilespmem:$0x130]  }
0x24: {  	v7 =	vld [tilespmem:$0x1B0]  }
0x25: {  	v39 =	vld [tilespmem:$0x140]  }
0x26: {  	v40 =	vld [tilespmem:$0x1C0];
	v0 =	vmul.f32 v37, v36;
	v38 =	vmul.f32 v3, v2  }
0x27: {  	v42 =	vld [tilespmem:$0x150]  }
0x28: {  	v43 =	vld [tilespmem:$0x1D0];
	v41 =	vmul.f32 v5, v4;
	v0 =	vadd.f32 v38, v0  }
0x29: {  	v45 =	vld [tilespmem:$0x160]  }
0x2a: {  	v46 =	vld [tilespmem:$0x1E0];
	v44 =	vmul.f32 v7, v6;
	v0 =	vadd.f32 v41, v0  }
0x2b: {  	v48 =	vld [tilespmem:$0x170]  }
0x2c: {  	v49 =	vld [tilespmem:$0x1F0];
	_ =	swait.ge [sflag:s26], $0x10;
	v47 =	vmul.f32 v40, v39;
	v0 =	vadd.f32 v44, v0  }
0x2d: {  	[sflag:s26] =	ssyncset.done $0x0  }
0x2e: {  	[sflag:s26] =	ssyncadd.s32 $0xFFFFFFF0;
	v50 =	vmul.f32 v43, v42;
	v0 =	vadd.f32 v47, v0  }
0x2f: {  	v53 =	vimm.s32 $0xFEDCBA98;
	v54 =	vimm.s32 $0x76543210;
	v52 =	vld [tilespmem:$0x200]  }
0x30: {  	v1 =	vunpack.c.l.s4.s8 v53;
	v51 =	vmul.f32 v46, v45;
	v0 =	vadd.f32 v50, v0  }
0x31: {  	vm15 =	vmmov $0x3;
	v3 =	vunpack.c.l.s4.s8 v54  }
0x32: {  	v1 =	vunpack.c.0.s8.s32 v1;
	v2 =	vmul.f32 v49, v48;
	v0 =	vadd.f32 v51, v0  }
0x33: {  	v56 =	vimm.s32 $0x3210FEDC;
	v57 =	vimm.s32 $0xBA987654;
	v3 =	vunpack.c.0.s8.s32 v3  }
0x34: {  	v1 =	vand.u32 $0xF, v1;
	v55 =	vnsel vm15, $0x0, v52;
	v0 =	vadd.f32 v2, v0  }
0x35: {  	v1 =	vcombine.low v1, v3;
	v3 =	vunpack.c.l.s4.s8 v57;
	v2 =	vunpack.c.l.s4.s8 v56  }
0x36: {  	v0 =	vadd.f32 v55, v0  }
0x37: {  	v3 =	vunpack.c.0.s8.s32 v3;
	v2 =	vunpack.c.0.s8.s32 v2  }
0x38: {  	v1 =	vperm.xlane v0, v1  }
0x39: {  	v59 =	vimm.s32 $0x10FEDCBA;
	v60 =	vimm.s32 $0x98765432;
	v58 =	vcombine.low v3, v2  }
0x3a: {  	v2 =	vunpack.c.l.s4.s8 v59;
	v3 =	vunpack.c.l.s4.s8 v60;
	v0 =	vadd.f32 v0, v1  }
0x3b: {  	v62 =	vimm.s32 $0x87654321  }
0x3c: {  	v2 =	vunpack.c.0.s8.s32 v2;
	v3 =	vunpack.c.0.s8.s32 v3;
	v1 =	vperm.xlane v0, v58  }
0x3d: {  	v61 =	vimm.s32 $0xFEDCBA9;
	v63 =	vunpack.c.l.s4.s8 v62  }
0x3e: {  	v2 =	vcombine.low v3, v2;
	v0 =	vadd.f32 v0, v1;
	v1 =	vunpack.c.l.s4.s8 v61;
	_ =	sdelay $0x1  }
0x3f: {  	v3 =	vunpack.c.0.s8.s32 v63;
	v2 =	vperm.xlane v0, v2;
	v1 =	vunpack.c.0.s8.s32 v1;
	_ =	sdelay $0x1  }
0x40: {  	v0 =	vadd.f32 v0, v2;
	v1 =	vcombine.low v3, v1;
	_ =	sdelay $0x1  }
0x41: {  	v1 =	vperm.xlane v0, v1;
	_ =	sdelay $0x1  }
0x42: {  	v0 =	vadd.f32 v0, v1;
	_ =	sdelay $0x1  }
0x43: {  	s30 =	simm.s32 $0x280;
	s31 =	simm.s32 $0x3;
	[tilespmem:$0x280] =	vst v0  }
0x44: {  	[hbm4b:s1+s2] =	stream.linear.scatter [tilespmem:s30], [sflag:$0x3], $0x80, $0x38;
	[tilespmem:$0x300] =	vst v63  }
0x45: {  	_ =	swait.ge [sflag:s31], $0x80  }
0x46: {  	[sflag:s31] =	ssyncset.done $0x0  }
0x47: {  	[sflag:s31] =	ssyncadd.s32 $0xFFFFFF80  }
.LBB2_2:
0x48: {  	_ =	sfence.sel $0x180000  }
0x49: {  	[bflag:$0x0] =	sbarrier.arrive $0xFFFF  }
0x4a: {  	_ =	strace $0x90000047  }
0x4b: {  	s0 =	sadd.s32 @!p0 $0x100000, s0;
	[bflag:$0x2] =	sbarrier.arrive $0xFFFF  }
0x4c: {  	[sflag:s0] =	ssyncadd.tile.s32 @!p0 $0x1;
	_ =	shalt  }
.Lfunc_end2:
_tile_overlayer_lowered:
.L_overlay_start_2:
0x4d: {  	(tag) =	ssettag $0x2  }
0x4e: {  	s0 =	rddreg [dreg:$0x0];
	s2 =	stileid.u32  }
0x4f: {  	s1 =	rddreg [dreg:$0x1];
	p0 =	sne.s32 s2, $0x0  }
0x50: {  	s3 =	rddreg [dreg:$0x2];
	[bflag:$0x3] =	sbarrier.arrive $0xFFFF;
	s2 =	simm.s32 @!p0 $0x1C03  }
0x51: {  	[timem:s3], [sflag:s2] =	dma.local @!p0 [hbm:s0], s1  }
0x52: {  	s0 =	simm.s32 @!p0 $0x3  }
0x53: {  	_ =	swait.ge @!p0 [sflag:s0], s1  }
0x54: {  	s1 =	ssub.s32 @!p0 $0x0, s1;
	[sflag:s0] =	ssyncset.done @!p0 $0x0  }
0x55: {  	[sflag:s0] =	ssyncadd.s32 @!p0 s1  }
0x56: {  	[bflag:$0x3] =	sbarrier.arrive $0xFFFF  }
0x57: {  	_ =	shalt  }

</sc_bundles>
